<compile_context>
chip_gen: v7x
topology: tpu7x:2x2x1
jax: 0.10.2.dev20260603
libtpu: 0.0.44.dev20260713+nightly
codegen_flags: <defaults>
</compile_context>

<pallas_src>
import functools

import jax
import jax.numpy as jnp
from jax import lax
from jax.experimental import pallas as pl
from jax.experimental.pallas import tpu as pltpu
from jax.experimental.pallas import tpu_sc as plsc

VOCAB = 100000
EMB = 64
CTX = 20
BATCH = 4096


_NC = 2
_NS = 16
_NW = _NC * _NS
_BPW = BATCH // _NW
_RC = 32
_NCHUNK = _BPW // _RC
_IDX_CHUNK = _RC * CTX


def _sc_gather_sum_body(idx_hbm, table_hbm, out_hbm, idx_v, rows_v, acc_v, sem):
    wid = lax.axis_index("s") * _NC + lax.axis_index("c")
    base = wid * _BPW

    def chunk_body(c, carry):
        row0 = base + c * _RC
        pltpu.sync_copy(idx_hbm.at[pl.ds(row0 * CTX, _IDX_CHUNK)], idx_v)
        pltpu.async_copy(table_hbm.at[idx_v], rows_v, sem).wait()

        def row_body(r, carry2):
            def t_body(t, accs):
                a0, a1, a2, a3 = accs
                rr = r * CTX + t
                a0 = a0 + rows_v[rr, pl.ds(0, 16)]
                a1 = a1 + rows_v[rr, pl.ds(16, 16)]
                a2 = a2 + rows_v[rr, pl.ds(32, 16)]
                a3 = a3 + rows_v[rr, pl.ds(48, 16)]
                return (a0, a1, a2, a3)

            z = jnp.zeros((16,), jnp.float32)
            a0, a1, a2, a3 = lax.fori_loop(0, CTX, t_body, (z, z, z, z))
            acc_v[r, pl.ds(0, 16)] = a0
            acc_v[r, pl.ds(16, 16)] = a1
            acc_v[r, pl.ds(32, 16)] = a2
            acc_v[r, pl.ds(48, 16)] = a3
            return carry2

        lax.fori_loop(0, _RC, row_body, 0)
        pltpu.sync_copy(acc_v, out_hbm.at[pl.ds(row0, _RC), :])
        return carry

    lax.fori_loop(0, _NCHUNK, chunk_body, 0)


def _sc_gather_sum(flat_idx, emb_table):
    mesh = plsc.VectorSubcoreMesh(core_axis_name="c", subcore_axis_name="s")
    return pl.kernel(
        _sc_gather_sum_body,
        mesh=mesh,
        out_type=jax.ShapeDtypeStruct((BATCH, EMB), jnp.float32),
        scratch_types=[
            pltpu.VMEM((_IDX_CHUNK,), jnp.int32),
            pltpu.VMEM((_IDX_CHUNK, EMB), jnp.float32),
            pltpu.VMEM((_RC, EMB), jnp.float32),
            pltpu.SemaphoreType.DMA,
        ],
        compiler_params=pltpu.CompilerParams(use_tc_tiling_on_sc=False),
    )(flat_idx, emb_table)



_BM = 32
_VC = 24576

_CHUNKS = []
_off = 0
while _off < VOCAB:
    _CHUNKS.append((_off, min(_VC, VOCAB - _off)))
    _off += _VC


def _tc_logsoftmax_body(s_ref, wt_ref, b_ref, o_ref):
    s = s_ref[...].astype(jnp.bfloat16)
    m = jnp.full((_BM, 1), -jnp.inf, jnp.float32)
    acc = jnp.zeros((_BM, 1), jnp.float32)
    for off, sz in _CHUNKS:
        wt = wt_ref[:, pl.ds(off, sz)]
        logits = lax.dot_general(
            s, wt, (((1,), (0,)), ((), ())),
            preferred_element_type=jnp.float32,
        ) + b_ref[:, pl.ds(off, sz)]
        o_ref[:, pl.ds(off, sz)] = logits
        cm = jnp.max(logits, axis=1, keepdims=True)
        new_m = jnp.maximum(m, cm)
        acc = acc * jnp.exp(m - new_m) + jnp.sum(
            jnp.exp(logits - new_m), axis=1, keepdims=True)
        m = new_m
    lse = m + jnp.log(acc)
    for off, sz in _CHUNKS:
        o_ref[:, pl.ds(off, sz)] = o_ref[:, pl.ds(off, sz)] - lse


def _tc_logsoftmax(summed, Wt, b2):
    return pl.pallas_call(
        _tc_logsoftmax_body,
        grid=(BATCH // _BM,),
        in_specs=[
            pl.BlockSpec((_BM, EMB), lambda i: (i, 0)),
            pl.BlockSpec((EMB, VOCAB), lambda i: (0, 0)),
            pl.BlockSpec((1, VOCAB), lambda i: (0, 0)),
        ],
        out_specs=pl.BlockSpec((_BM, VOCAB), lambda i: (i, 0)),
        out_shape=jax.ShapeDtypeStruct((BATCH, VOCAB), jnp.float32),
        compiler_params=pltpu.CompilerParams(
            vmem_limit_bytes=128 * 1024 * 1024,
        ),
    )(summed, Wt, b2)


def kernel(inputs, emb_table, W, b):
    flat_idx = inputs.reshape(-1)
    summed = _sc_gather_sum(flat_idx, emb_table)
    return _tc_logsoftmax(summed, W.T.astype(jnp.bfloat16), b.reshape(1, VOCAB))

# --- scband reference (transcript-rebuilt; emitter-appended) ---
"""Pipeline reference for scband-continuous-bag-of-words-13082470384314 (READ-ONLY COPY).

The authoritative reference and input builder live on the scoring server;
editing this copy changes nothing except your own understanding.
"""

import jax, jax.numpy as jnp
import numpy as np

VOCAB = 100000
EMB = 64
CTX = 20
BATCH = 4096

def setup_inputs(seed: int = 0) -> dict:
    key = jax.random.key(seed)
    k1, k2, k3, k4 = jax.random.split(key, 4)
    inputs = jax.random.randint(k1, (BATCH, CTX), 0, VOCAB, dtype=jnp.int64 if jax.config.jax_enable_x64 else jnp.int32).astype(jnp.int32)
    emb_table = jax.random.normal(k2, (VOCAB, EMB), dtype=jnp.float32) * (1.0 / np.sqrt(EMB))
    W = jax.random.normal(k3, (VOCAB, EMB), dtype=jnp.float32) * (1.0 / np.sqrt(EMB))
    b = jax.random.normal(k4, (VOCAB,), dtype=jnp.float32) * 0.01
    return {"inputs": inputs, "emb_table": emb_table, "W": W, "b": b}

def reference(inputs, emb_table, W, b):
    # embedding lookup: gather rows of the table
    embeds = jnp.take(emb_table, inputs, axis=0)          # [B, CTX, EMB]
    summed = embeds.sum(axis=-2)                          # [B, EMB]
    out = summed @ W.T + b                                # [B, VOCAB]
    log_probs = jax.nn.log_softmax(out, axis=-1)
    return log_probs

if __name__ == "__main__":
    import jax
    _d = setup_inputs()
    print(jax.jit(kernel)(*tuple(_d.values())))

</pallas_src>

<mosaic_0001>
#map = affine_map<(d0, d1) -> (0)>
#map1 = affine_map<(d0, d1) -> (0, 0)>
module attributes {stable_mosaic.version = 14 : i64} {
  func.func @_sc_gather_sum_body(%arg0: i32, %arg1: i32, %arg2: memref<81920xi32, #tpu.memory_space<hbm>>, %arg3: memref<100000x64xf32, #tpu.memory_space<hbm>>, %arg4: memref<4096x64xf32, #tpu.memory_space<hbm>>, %arg5: memref<640xi32, #tpu.memory_space<vmem>>, %arg6: memref<640x64xf32, #tpu.memory_space<vmem>>, %arg7: memref<32x64xf32, #tpu.memory_space<vmem>>, %arg8: memref<!tpu.dma_semaphore, #tpu.memory_space<semaphore_mem>>) attributes {dimension_semantics = [#tpu.dimension_semantics<core_parallel>, #tpu.dimension_semantics<subcore_parallel>], iteration_bounds = array<i64: 2, 16>, scalar_prefetch = 0 : i64, scratch_operands = 4 : i64, tpu.core_type = #tpu.core_type<sc_vector_subcore>, window_params = [{transform_indices = #map}, {transform_indices = #map1}, {transform_indices = #map1}]} {
    %mul3A = arith.constant 2 : i32
    %mul3A_0 = arith.muli %arg1, %mul3A : i32
    %add3A = arith.addi %mul3A_0, %arg0 : i32
    %mul3A_1 = arith.constant 128 : i32
    %mul3A_2 = arith.muli %add3A, %mul3A_1 : i32
    %scan3A = arith.constant 0 : i32
    %scan3A_3 = arith.constant 0 : i32
    %scan3A_4 = arith.constant 4 : i32
    %scan3A_5 = arith.addi %scan3A_3, %scan3A_4 : i32
    %scan3A_6 = arith.constant 1 : i32
    scf.for %scan3A_8 = %scan3A_3 to %scan3A_5 step %scan3A_6  : i32 {
      %mul3A_9 = arith.constant 32 : i32
      %mul3A_10 = arith.muli %scan3A_8, %mul3A_9 : i32
      %add3A_11 = arith.addi %mul3A_2, %mul3A_10 : i32
      %mul3A_12 = arith.constant 20 : i32
      %mul3A_13 = arith.muli %add3A_11, %mul3A_12 : i32
      "tpu.region"() ({
        %run_scoped3A = tpu.sem_alloc : memref<!tpu.dma_semaphore, #tpu.memory_space<semaphore_mem>>
        %dma_start3A_24 = tpu.memref_slice %arg2[%mul3A_13] : memref<81920xi32, #tpu.memory_space<hbm>> -> memref<640xi32, #tpu.memory_space<hbm>>
        %dma_start3A_25 = tpu.memref_slice %arg2[%mul3A_13] : memref<81920xi32, #tpu.memory_space<hbm>> -> memref<640xi32, #tpu.memory_space<hbm>>
        tpu.enqueue_dma source(%dma_start3A_25 : memref<640xi32, #tpu.memory_space<hbm>>) target(%arg5 : memref<640xi32, #tpu.memory_space<vmem>>) target_semaphore(%run_scoped3A : memref<!tpu.dma_semaphore, #tpu.memory_space<semaphore_mem>>)
        %dma_wait3A_26 = tpu.memref_slice %arg2[%mul3A_13] : memref<81920xi32, #tpu.memory_space<hbm>> -> memref<640xi32, #tpu.memory_space<hbm>>
        %dma_wait3A_27 = tpu.memref_slice %arg2[%mul3A_13] : memref<81920xi32, #tpu.memory_space<hbm>> -> memref<640xi32, #tpu.memory_space<hbm>>
        tpu.wait_dma2 semaphore(%run_scoped3A : memref<!tpu.dma_semaphore, #tpu.memory_space<semaphore_mem>>) src(%dma_wait3A_27 : memref<640xi32, #tpu.memory_space<hbm>>) dst(%arg5 : memref<640xi32, #tpu.memory_space<vmem>>)
        tpu.yield
      }) : () -> ()
      %dma_start3A = arith.constant 0 : i32
      %dma_start3A_14 = arith.constant 0 : i32
      %dma_start3A_15 = tpu.memref_slice %arg3[%dma_start3A, %dma_start3A_14] : memref<100000x64xf32, #tpu.memory_space<hbm>> -> memref<100000x64xf32, #tpu.memory_space<hbm>>
      tpu.enqueue_indirect_dma source(%dma_start3A_15 : memref<100000x64xf32, #tpu.memory_space<hbm>>) target(%arg6 : memref<640x64xf32, #tpu.memory_space<vmem>>) offsets(%arg5 : memref<640xi32, #tpu.memory_space<vmem>>) semaphore(%arg8 : memref<!tpu.dma_semaphore, #tpu.memory_space<semaphore_mem>>)
      %dma_wait3A = arith.constant 0 : i32
      %dma_wait3A_16 = arith.constant 0 : i32
      %dma_wait3A_17 = tpu.memref_slice %arg3[%dma_wait3A, %dma_wait3A_16] : memref<100000x64xf32, #tpu.memory_space<hbm>> -> memref<100000x64xf32, #tpu.memory_space<hbm>>
      tpu.wait_indirect_dma semaphore(%arg8 : memref<!tpu.dma_semaphore, #tpu.memory_space<semaphore_mem>>) src(%dma_wait3A_17 : memref<100000x64xf32, #tpu.memory_space<hbm>>) dst(%arg6 : memref<640x64xf32, #tpu.memory_space<vmem>>)
      %scan3A_18 = arith.constant 0 : i32
      %scan3A_19 = arith.constant 0 : i32
      %scan3A_20 = arith.constant 32 : i32
      %scan3A_21 = arith.addi %scan3A_19, %scan3A_20 : i32
      %scan3A_22 = arith.constant 1 : i32
      scf.for %scan3A_24 = %scan3A_19 to %scan3A_21 step %scan3A_22  : i32 {
        %broadcast_in_dim3A = arith.constant 0.000000e+00 : f32
        %broadcast_in_dim3A_25 = vector.broadcast %broadcast_in_dim3A : f32 to vector<16xf32>
        %scan3A_26 = arith.constant 0 : i32
        %scan3A_27 = arith.constant 20 : i32
        %scan3A_28 = arith.addi %scan3A_26, %scan3A_27 : i32
        %scan3A_29 = arith.constant 1 : i32
        %scan3A_30:4 = scf.for %scan3A_51 = %scan3A_26 to %scan3A_28 step %scan3A_29 iter_args(%scan3A_52 = %broadcast_in_dim3A_25, %scan3A_53 = %broadcast_in_dim3A_25, %scan3A_54 = %broadcast_in_dim3A_25, %scan3A_55 = %broadcast_in_dim3A_25) -> (vector<16xf32>, vector<16xf32>, vector<16xf32>, vector<16xf32>)  : i32 {
          %mul3A_56 = arith.constant 20 : i32
          %mul3A_57 = arith.muli %scan3A_24, %mul3A_56 : i32
          %add3A_58 = arith.addi %mul3A_57, %scan3A_51 : i32
          %get3A = arith.index_cast %add3A_58 : i32 to index
          %get3A_59 = arith.constant 0 : index
          %get3A_60 = tpu.vector_load %arg6[%get3A, %get3A_59] {strides = array<i32>} : memref<640x64xf32, #tpu.memory_space<vmem>>, vector<1x16xf32>,
          %get3A_61 = vector.shape_cast %get3A_60 : vector<1x16xf32> to vector<16xf32>
          %add3A_62 = arith.addf %scan3A_52, %get3A_61 : vector<16xf32>
          %get3A_63 = arith.index_cast %add3A_58 : i32 to index
          %get3A_64 = arith.constant 16 : index
          %get3A_65 = tpu.vector_load %arg6[%get3A_63, %get3A_64] {strides = array<i32>} : memref<640x64xf32, #tpu.memory_space<vmem>>, vector<1x16xf32>,
          %get3A_66 = vector.shape_cast %get3A_65 : vector<1x16xf32> to vector<16xf32>
          %add3A_67 = arith.addf %scan3A_53, %get3A_66 : vector<16xf32>
          %get3A_68 = arith.index_cast %add3A_58 : i32 to index
          %get3A_69 = arith.constant 32 : index
          %get3A_70 = tpu.vector_load %arg6[%get3A_68, %get3A_69] {strides = array<i32>} : memref<640x64xf32, #tpu.memory_space<vmem>>, vector<1x16xf32>,
          %get3A_71 = vector.shape_cast %get3A_70 : vector<1x16xf32> to vector<16xf32>
          %add3A_72 = arith.addf %scan3A_54, %get3A_71 : vector<16xf32>
          %get3A_73 = arith.index_cast %add3A_58 : i32 to index
          %get3A_74 = arith.constant 48 : index
          %get3A_75 = tpu.vector_load %arg6[%get3A_73, %get3A_74] {strides = array<i32>} : memref<640x64xf32, #tpu.memory_space<vmem>>, vector<1x16xf32>,
          %get3A_76 = vector.shape_cast %get3A_75 : vector<1x16xf32> to vector<16xf32>
          %add3A_77 = arith.addf %scan3A_55, %get3A_76 : vector<16xf32>
          scf.yield %add3A_62, %add3A_67, %add3A_72, %add3A_77 : vector<16xf32>, vector<16xf32>, vector<16xf32>, vector<16xf32>
        }
        %scan3A_31 = arith.constant 20 : i32
        %swap3A = arith.index_cast %scan3A_24 : i32 to index
        %swap3A_32 = arith.constant 0 : index
        %swap3A_33 = tpu.vector_load %arg7[%swap3A, %swap3A_32] {strides = array<i32>} : memref<32x64xf32, #tpu.memory_space<vmem>>, vector<1x16xf32>,
        %swap3A_34 = vector.shape_cast %swap3A_33 : vector<1x16xf32> to vector<16xf32>
        %swap3A_35 = vector.shape_cast %scan3A_30#0 : vector<16xf32> to vector<1x16xf32>
        tpu.vector_store %arg7[%swap3A, %swap3A_32], %swap3A_35 {strides = array<i32>} : memref<32x64xf32, #tpu.memory_space<vmem>>, vector<1x16xf32>,
        %swap3A_36 = arith.index_cast %scan3A_24 : i32 to index
        %swap3A_37 = arith.constant 16 : index
        %swap3A_38 = tpu.vector_load %arg7[%swap3A_36, %swap3A_37] {strides = array<i32>} : memref<32x64xf32, #tpu.memory_space<vmem>>, vector<1x16xf32>,
        %swap3A_39 = vector.shape_cast %swap3A_38 : vector<1x16xf32> to vector<16xf32>
        %swap3A_40 = vector.shape_cast %scan3A_30#1 : vector<16xf32> to vector<1x16xf32>
        tpu.vector_store %arg7[%swap3A_36, %swap3A_37], %swap3A_40 {strides = array<i32>} : memref<32x64xf32, #tpu.memory_space<vmem>>, vector<1x16xf32>,
        %swap3A_41 = arith.index_cast %scan3A_24 : i32 to index
        %swap3A_42 = arith.constant 32 : index
        %swap3A_43 = tpu.vector_load %arg7[%swap3A_41, %swap3A_42] {strides = array<i32>} : memref<32x64xf32, #tpu.memory_space<vmem>>, vector<1x16xf32>,
        %swap3A_44 = vector.shape_cast %swap3A_43 : vector<1x16xf32> to vector<16xf32>
        %swap3A_45 = vector.shape_cast %scan3A_30#2 : vector<16xf32> to vector<1x16xf32>
        tpu.vector_store %arg7[%swap3A_41, %swap3A_42], %swap3A_45 {strides = array<i32>} : memref<32x64xf32, #tpu.memory_space<vmem>>, vector<1x16xf32>,
        %swap3A_46 = arith.index_cast %scan3A_24 : i32 to index
        %swap3A_47 = arith.constant 48 : index
        %swap3A_48 = tpu.vector_load %arg7[%swap3A_46, %swap3A_47] {strides = array<i32>} : memref<32x64xf32, #tpu.memory_space<vmem>>, vector<1x16xf32>,
        %swap3A_49 = vector.shape_cast %swap3A_48 : vector<1x16xf32> to vector<16xf32>
        %swap3A_50 = vector.shape_cast %scan3A_30#3 : vector<16xf32> to vector<1x16xf32>
        tpu.vector_store %arg7[%swap3A_46, %swap3A_47], %swap3A_50 {strides = array<i32>} : memref<32x64xf32, #tpu.memory_space<vmem>>, vector<1x16xf32>,
      }
      %scan3A_23 = arith.constant 32 : i32
      "tpu.region"() ({
        %run_scoped3A = tpu.sem_alloc : memref<!tpu.dma_semaphore, #tpu.memory_space<semaphore_mem>>
        %dma_start3A_24 = arith.constant 0 : i32
        %dma_start3A_25 = tpu.memref_slice %arg4[%add3A_11, %dma_start3A_24] : memref<4096x64xf32, #tpu.memory_space<hbm>> -> memref<32x64xf32, #tpu.memory_space<hbm>>
        %dma_start3A_26 = arith.constant 0 : i32
        %dma_start3A_27 = tpu.memref_slice %arg4[%add3A_11, %dma_start3A_26] : memref<4096x64xf32, #tpu.memory_space<hbm>> -> memref<32x64xf32, #tpu.memory_space<hbm>>
        tpu.enqueue_dma source(%arg7 : memref<32x64xf32, #tpu.memory_space<vmem>>) target(%dma_start3A_27 : memref<32x64xf32, #tpu.memory_space<hbm>>) target_semaphore(%run_scoped3A : memref<!tpu.dma_semaphore, #tpu.memory_space<semaphore_mem>>)
        %dma_wait3A_28 = arith.constant 0 : i32
        %dma_wait3A_29 = tpu.memref_slice %arg4[%add3A_11, %dma_wait3A_28] : memref<4096x64xf32, #tpu.memory_space<hbm>> -> memref<32x64xf32, #tpu.memory_space<hbm>>
        %dma_wait3A_30 = arith.constant 0 : i32
        %dma_wait3A_31 = tpu.memref_slice %arg4[%add3A_11, %dma_wait3A_30] : memref<4096x64xf32, #tpu.memory_space<hbm>> -> memref<32x64xf32, #tpu.memory_space<hbm>>
        tpu.wait_dma2 semaphore(%run_scoped3A : memref<!tpu.dma_semaphore, #tpu.memory_space<semaphore_mem>>) src(%arg7 : memref<32x64xf32, #tpu.memory_space<vmem>>) dst(%dma_wait3A_31 : memref<32x64xf32, #tpu.memory_space<hbm>>)
        tpu.yield
      }) : () -> ()
    }
    %scan3A_7 = arith.constant 4 : i32
    return
  }
}

module attributes {stable_mosaic.version = 14 : i64} {
  func.func @_tc_logsoftmax_body(%arg0: i32, %arg1: memref<32x64xf32, #tpu.memory_space<vmem>>, %arg2: memref<64x100000xbf16, #tpu.memory_space<vmem>>, %arg3: memref<1x100000xf32, #tpu.memory_space<vmem>>, %arg4: memref<32x100000xf32, #tpu.memory_space<vmem>>) attributes {dimension_semantics = [#tpu.dimension_semantics<arbitrary>], iteration_bounds = array<i64: 128>, scalar_prefetch = 0 : i64, scratch_operands = 0 : i64, tpu.core_type = #tpu.core_type<tc>, window_params = [{transform_indices = @transform_0, window_bounds = array<i64: 32, 64>}, {pipeline_mode = #tpu.pipeline_mode<synchronous>, transform_indices = @transform_1, window_bounds = array<i64: 64, 100000>}, {pipeline_mode = #tpu.pipeline_mode<synchronous>, transform_indices = @transform_2, window_bounds = array<i64: 1, 100000>}, {transform_indices = @transform_3, window_bounds = array<i64: 32, 100000>}]} {
    %get3A = arith.constant 0 : index
    %get3A_0 = arith.constant 0 : index
    %get3A_1 = vector.load %arg1[%get3A, %get3A_0] : memref<32x64xf32, #tpu.memory_space<vmem>>, vector<32x64xf32>
    %convert_element_type3A = arith.truncf %get3A_1 : vector<32x64xf32> to vector<32x64xbf16>
    %broadcast_in_dim3A = arith.constant 0xFF800000 : f32
    %broadcast_in_dim3A_2 = vector.broadcast %broadcast_in_dim3A : f32 to vector<32x1xf32>
    %broadcast_in_dim3A_3 = arith.constant 0.000000e+00 : f32
    %broadcast_in_dim3A_4 = vector.broadcast %broadcast_in_dim3A_3 : f32 to vector<32x1xf32>
    %get3A_5 = arith.constant 0 : index
    %get3A_6 = arith.constant 0 : index
    %get3A_7 = vector.load %arg2[%get3A_5, %get3A_6] : memref<64x100000xbf16, #tpu.memory_space<vmem>>, vector<64x24576xbf16>
    %dot_general3A = arith.constant dense<0.000000e+00> : vector<32x24576xf32>
    %dot_general3A_8 = tpu.matmul %convert_element_type3A, %get3A_7, %dot_general3A {dimension_numbers = #tpu.dot_dimension_numbers<[1], [0], [0], [1], [0, 0, 1, 1], [], []>, transpose_lhs_hint = false} : vector<32x64xbf16>, vector<64x24576xbf16>, vector<32x24576xf32> -> vector<32x24576xf32>
    %get3A_9 = arith.constant 0 : index
    %get3A_10 = arith.constant 0 : index
    %get3A_11 = vector.load %arg3[%get3A_9, %get3A_10] : memref<1x100000xf32, #tpu.memory_space<vmem>>, vector<1x24576xf32>
    %add3A = vector.broadcast %get3A_11 : vector<1x24576xf32> to vector<32x24576xf32>
    %add3A_12 = arith.addf %dot_general3A_8, %add3A : vector<32x24576xf32>
    %swap3A = arith.constant 0 : index
    %swap3A_13 = arith.constant 0 : index
    %swap3A_14 = vector.load %arg4[%swap3A, %swap3A_13] : memref<32x100000xf32, #tpu.memory_space<vmem>>, vector<32x24576xf32>
    tpu.vector_store %arg4[%swap3A, %swap3A_13], %add3A_12 {strides = array<i32>} : memref<32x100000xf32, #tpu.memory_space<vmem>>, vector<32x24576xf32>,
    %reduce_max3A = arith.constant dense<0xFF800000> : vector<32xf32>
    %reduce_max3A_15 = vector.multi_reduction <maximumf>, %add3A_12, %reduce_max3A [1] : vector<32x24576xf32> to vector<32xf32>
    %broadcast_in_dim3A_16 = vector.shape_cast %reduce_max3A_15 : vector<32xf32> to vector<32x1xf32>
    %max3A = arith.maximumf %broadcast_in_dim3A_2, %broadcast_in_dim3A_16 : vector<32x1xf32>
    %sub3A = arith.subf %broadcast_in_dim3A_2, %max3A : vector<32x1xf32>
    %exp3A = math.exp %sub3A : vector<32x1xf32>
    %mul3A = arith.mulf %broadcast_in_dim3A_4, %exp3A : vector<32x1xf32>
    %sub3A_17 = vector.broadcast %max3A : vector<32x1xf32> to vector<32x24576xf32>
    %sub3A_18 = arith.subf %add3A_12, %sub3A_17 : vector<32x24576xf32>
    %exp3A_19 = math.exp %sub3A_18 : vector<32x24576xf32>
    %reduce_sum3A = arith.constant dense<0.000000e+00> : vector<32xf32>
    %reduce_sum3A_20 = vector.multi_reduction <add>, %exp3A_19, %reduce_sum3A [1] : vector<32x24576xf32> to vector<32xf32>
    %broadcast_in_dim3A_21 = vector.shape_cast %reduce_sum3A_20 : vector<32xf32> to vector<32x1xf32>
    %add3A_22 = arith.addf %mul3A, %broadcast_in_dim3A_21 : vector<32x1xf32>
    %get3A_23 = arith.constant 0 : index
    %get3A_24 = arith.constant 24576 : index
    %get3A_25 = vector.load %arg2[%get3A_23, %get3A_24] : memref<64x100000xbf16, #tpu.memory_space<vmem>>, vector<64x24576xbf16>
    %dot_general3A_26 = arith.constant dense<0.000000e+00> : vector<32x24576xf32>
    %dot_general3A_27 = tpu.matmul %convert_element_type3A, %get3A_25, %dot_general3A_26 {dimension_numbers = #tpu.dot_dimension_numbers<[1], [0], [0], [1], [0, 0, 1, 1], [], []>, transpose_lhs_hint = false} : vector<32x64xbf16>, vector<64x24576xbf16>, vector<32x24576xf32> -> vector<32x24576xf32>
    %get3A_28 = arith.constant 0 : index
    %get3A_29 = arith.constant 24576 : index
    %get3A_30 = vector.load %arg3[%get3A_28, %get3A_29] : memref<1x100000xf32, #tpu.memory_space<vmem>>, vector<1x24576xf32>
    %add3A_31 = vector.broadcast %get3A_30 : vector<1x24576xf32> to vector<32x24576xf32>
    %add3A_32 = arith.addf %dot_general3A_27, %add3A_31 : vector<32x24576xf32>
    %swap3A_33 = arith.constant 0 : index
    %swap3A_34 = arith.constant 24576 : index
    %swap3A_35 = vector.load %arg4[%swap3A_33, %swap3A_34] : memref<32x100000xf32, #tpu.memory_space<vmem>>, vector<32x24576xf32>
    tpu.vector_store %arg4[%swap3A_33, %swap3A_34], %add3A_32 {strides = array<i32>} : memref<32x100000xf32, #tpu.memory_space<vmem>>, vector<32x24576xf32>,
    %reduce_max3A_36 = arith.constant dense<0xFF800000> : vector<32xf32>
    %reduce_max3A_37 = vector.multi_reduction <maximumf>, %add3A_32, %reduce_max3A_36 [1] : vector<32x24576xf32> to vector<32xf32>
    %broadcast_in_dim3A_38 = vector.shape_cast %reduce_max3A_37 : vector<32xf32> to vector<32x1xf32>
    %max3A_39 = arith.maximumf %max3A, %broadcast_in_dim3A_38 : vector<32x1xf32>
    %sub3A_40 = arith.subf %max3A, %max3A_39 : vector<32x1xf32>
    %exp3A_41 = math.exp %sub3A_40 : vector<32x1xf32>
    %mul3A_42 = arith.mulf %add3A_22, %exp3A_41 : vector<32x1xf32>
    %sub3A_43 = vector.broadcast %max3A_39 : vector<32x1xf32> to vector<32x24576xf32>
    %sub3A_44 = arith.subf %add3A_32, %sub3A_43 : vector<32x24576xf32>
    %exp3A_45 = math.exp %sub3A_44 : vector<32x24576xf32>
    %reduce_sum3A_46 = arith.constant dense<0.000000e+00> : vector<32xf32>
    %reduce_sum3A_47 = vector.multi_reduction <add>, %exp3A_45, %reduce_sum3A_46 [1] : vector<32x24576xf32> to vector<32xf32>
    %broadcast_in_dim3A_48 = vector.shape_cast %reduce_sum3A_47 : vector<32xf32> to vector<32x1xf32>
    %add3A_49 = arith.addf %mul3A_42, %broadcast_in_dim3A_48 : vector<32x1xf32>
    %get3A_50 = arith.constant 0 : index
    %get3A_51 = arith.constant 49152 : index
    %get3A_52 = vector.load %arg2[%get3A_50, %get3A_51] : memref<64x100000xbf16, #tpu.memory_space<vmem>>, vector<64x24576xbf16>
    %dot_general3A_53 = arith.constant dense<0.000000e+00> : vector<32x24576xf32>
    %dot_general3A_54 = tpu.matmul %convert_element_type3A, %get3A_52, %dot_general3A_53 {dimension_numbers = #tpu.dot_dimension_numbers<[1], [0], [0], [1], [0, 0, 1, 1], [], []>, transpose_lhs_hint = false} : vector<32x64xbf16>, vector<64x24576xbf16>, vector<32x24576xf32> -> vector<32x24576xf32>
    %get3A_55 = arith.constant 0 : index
    %get3A_56 = arith.constant 49152 : index
    %get3A_57 = vector.load %arg3[%get3A_55, %get3A_56] : memref<1x100000xf32, #tpu.memory_space<vmem>>, vector<1x24576xf32>
    %add3A_58 = vector.broadcast %get3A_57 : vector<1x24576xf32> to vector<32x24576xf32>
    %add3A_59 = arith.addf %dot_general3A_54, %add3A_58 : vector<32x24576xf32>
    %swap3A_60 = arith.constant 0 : index
    %swap3A_61 = arith.constant 49152 : index
    %swap3A_62 = vector.load %arg4[%swap3A_60, %swap3A_61] : memref<32x100000xf32, #tpu.memory_space<vmem>>, vector<32x24576xf32>
    tpu.vector_store %arg4[%swap3A_60, %swap3A_61], %add3A_59 {strides = array<i32>} : memref<32x100000xf32, #tpu.memory_space<vmem>>, vector<32x24576xf32>,
    %reduce_max3A_63 = arith.constant dense<0xFF800000> : vector<32xf32>
    %reduce_max3A_64 = vector.multi_reduction <maximumf>, %add3A_59, %reduce_max3A_63 [1] : vector<32x24576xf32> to vector<32xf32>
    %broadcast_in_dim3A_65 = vector.shape_cast %reduce_max3A_64 : vector<32xf32> to vector<32x1xf32>
    %max3A_66 = arith.maximumf %max3A_39, %broadcast_in_dim3A_65 : vector<32x1xf32>
    %sub3A_67 = arith.subf %max3A_39, %max3A_66 : vector<32x1xf32>
    %exp3A_68 = math.exp %sub3A_67 : vector<32x1xf32>
    %mul3A_69 = arith.mulf %add3A_49, %exp3A_68 : vector<32x1xf32>
    %sub3A_70 = vector.broadcast %max3A_66 : vector<32x1xf32> to vector<32x24576xf32>
    %sub3A_71 = arith.subf %add3A_59, %sub3A_70 : vector<32x24576xf32>
    %exp3A_72 = math.exp %sub3A_71 : vector<32x24576xf32>
    %reduce_sum3A_73 = arith.constant dense<0.000000e+00> : vector<32xf32>
    %reduce_sum3A_74 = vector.multi_reduction <add>, %exp3A_72, %reduce_sum3A_73 [1] : vector<32x24576xf32> to vector<32xf32>
    %broadcast_in_dim3A_75 = vector.shape_cast %reduce_sum3A_74 : vector<32xf32> to vector<32x1xf32>
    %add3A_76 = arith.addf %mul3A_69, %broadcast_in_dim3A_75 : vector<32x1xf32>
    %get3A_77 = arith.constant 0 : index
    %get3A_78 = arith.constant 73728 : index
    %get3A_79 = vector.load %arg2[%get3A_77, %get3A_78] : memref<64x100000xbf16, #tpu.memory_space<vmem>>, vector<64x24576xbf16>
    %dot_general3A_80 = arith.constant dense<0.000000e+00> : vector<32x24576xf32>
    %dot_general3A_81 = tpu.matmul %convert_element_type3A, %get3A_79, %dot_general3A_80 {dimension_numbers = #tpu.dot_dimension_numbers<[1], [0], [0], [1], [0, 0, 1, 1], [], []>, transpose_lhs_hint = false} : vector<32x64xbf16>, vector<64x24576xbf16>, vector<32x24576xf32> -> vector<32x24576xf32>
    %get3A_82 = arith.constant 0 : index
    %get3A_83 = arith.constant 73728 : index
    %get3A_84 = vector.load %arg3[%get3A_82, %get3A_83] : memref<1x100000xf32, #tpu.memory_space<vmem>>, vector<1x24576xf32>
    %add3A_85 = vector.broadcast %get3A_84 : vector<1x24576xf32> to vector<32x24576xf32>
    %add3A_86 = arith.addf %dot_general3A_81, %add3A_85 : vector<32x24576xf32>
    %swap3A_87 = arith.constant 0 : index
    %swap3A_88 = arith.constant 73728 : index
    %swap3A_89 = vector.load %arg4[%swap3A_87, %swap3A_88] : memref<32x100000xf32, #tpu.memory_space<vmem>>, vector<32x24576xf32>
    tpu.vector_store %arg4[%swap3A_87, %swap3A_88], %add3A_86 {strides = array<i32>} : memref<32x100000xf32, #tpu.memory_space<vmem>>, vector<32x24576xf32>,
    %reduce_max3A_90 = arith.constant dense<0xFF800000> : vector<32xf32>
    %reduce_max3A_91 = vector.multi_reduction <maximumf>, %add3A_86, %reduce_max3A_90 [1] : vector<32x24576xf32> to vector<32xf32>
    %broadcast_in_dim3A_92 = vector.shape_cast %reduce_max3A_91 : vector<32xf32> to vector<32x1xf32>
    %max3A_93 = arith.maximumf %max3A_66, %broadcast_in_dim3A_92 : vector<32x1xf32>
    %sub3A_94 = arith.subf %max3A_66, %max3A_93 : vector<32x1xf32>
    %exp3A_95 = math.exp %sub3A_94 : vector<32x1xf32>
    %mul3A_96 = arith.mulf %add3A_76, %exp3A_95 : vector<32x1xf32>
    %sub3A_97 = vector.broadcast %max3A_93 : vector<32x1xf32> to vector<32x24576xf32>
    %sub3A_98 = arith.subf %add3A_86, %sub3A_97 : vector<32x24576xf32>
    %exp3A_99 = math.exp %sub3A_98 : vector<32x24576xf32>
    %reduce_sum3A_100 = arith.constant dense<0.000000e+00> : vector<32xf32>
    %reduce_sum3A_101 = vector.multi_reduction <add>, %exp3A_99, %reduce_sum3A_100 [1] : vector<32x24576xf32> to vector<32xf32>
    %broadcast_in_dim3A_102 = vector.shape_cast %reduce_sum3A_101 : vector<32xf32> to vector<32x1xf32>
    %add3A_103 = arith.addf %mul3A_96, %broadcast_in_dim3A_102 : vector<32x1xf32>
    %get3A_104 = arith.constant 0 : index
    %get3A_105 = arith.constant 98304 : index
    %get3A_106 = vector.load %arg2[%get3A_104, %get3A_105] : memref<64x100000xbf16, #tpu.memory_space<vmem>>, vector<64x1696xbf16>
    %dot_general3A_107 = arith.constant dense<0.000000e+00> : vector<32x1696xf32>
    %dot_general3A_108 = tpu.matmul %convert_element_type3A, %get3A_106, %dot_general3A_107 {dimension_numbers = #tpu.dot_dimension_numbers<[1], [0], [0], [1], [0, 0, 1, 1], [], []>, transpose_lhs_hint = false} : vector<32x64xbf16>, vector<64x1696xbf16>, vector<32x1696xf32> -> vector<32x1696xf32>
    %get3A_109 = arith.constant 0 : index
    %get3A_110 = arith.constant 98304 : index
    %get3A_111 = vector.load %arg3[%get3A_109, %get3A_110] : memref<1x100000xf32, #tpu.memory_space<vmem>>, vector<1x1696xf32>
    %add3A_112 = vector.broadcast %get3A_111 : vector<1x1696xf32> to vector<32x1696xf32>
    %add3A_113 = arith.addf %dot_general3A_108, %add3A_112 : vector<32x1696xf32>
    %swap3A_114 = arith.constant 0 : index
    %swap3A_115 = arith.constant 98304 : index
    %swap3A_116 = vector.load %arg4[%swap3A_114, %swap3A_115] : memref<32x100000xf32, #tpu.memory_space<vmem>>, vector<32x1696xf32>
    tpu.vector_store %arg4[%swap3A_114, %swap3A_115], %add3A_113 {strides = array<i32>} : memref<32x100000xf32, #tpu.memory_space<vmem>>, vector<32x1696xf32>,
    %reduce_max3A_117 = arith.constant dense<0xFF800000> : vector<32xf32>
    %reduce_max3A_118 = vector.multi_reduction <maximumf>, %add3A_113, %reduce_max3A_117 [1] : vector<32x1696xf32> to vector<32xf32>
    %broadcast_in_dim3A_119 = vector.shape_cast %reduce_max3A_118 : vector<32xf32> to vector<32x1xf32>
    %max3A_120 = arith.maximumf %max3A_93, %broadcast_in_dim3A_119 : vector<32x1xf32>
    %sub3A_121 = arith.subf %max3A_93, %max3A_120 : vector<32x1xf32>
    %exp3A_122 = math.exp %sub3A_121 : vector<32x1xf32>
    %mul3A_123 = arith.mulf %add3A_103, %exp3A_122 : vector<32x1xf32>
    %sub3A_124 = vector.broadcast %max3A_120 : vector<32x1xf32> to vector<32x1696xf32>
    %sub3A_125 = arith.subf %add3A_113, %sub3A_124 : vector<32x1696xf32>
    %exp3A_126 = math.exp %sub3A_125 : vector<32x1696xf32>
    %reduce_sum3A_127 = arith.constant dense<0.000000e+00> : vector<32xf32>
    %reduce_sum3A_128 = vector.multi_reduction <add>, %exp3A_126, %reduce_sum3A_127 [1] : vector<32x1696xf32> to vector<32xf32>
    %broadcast_in_dim3A_129 = vector.shape_cast %reduce_sum3A_128 : vector<32xf32> to vector<32x1xf32>
    %add3A_130 = arith.addf %mul3A_123, %broadcast_in_dim3A_129 : vector<32x1xf32>
    %log3A = math.log %add3A_130 : vector<32x1xf32>
    %add3A_131 = arith.addf %max3A_120, %log3A : vector<32x1xf32>
    %get3A_132 = arith.constant 0 : index
    %get3A_133 = arith.constant 0 : index
    %get3A_134 = vector.load %arg4[%get3A_132, %get3A_133] : memref<32x100000xf32, #tpu.memory_space<vmem>>, vector<32x24576xf32>
    %sub3A_135 = vector.broadcast %add3A_131 : vector<32x1xf32> to vector<32x24576xf32>
    %sub3A_136 = arith.subf %get3A_134, %sub3A_135 : vector<32x24576xf32>
    %swap3A_137 = arith.constant 0 : index
    %swap3A_138 = arith.constant 0 : index
    %swap3A_139 = vector.load %arg4[%swap3A_137, %swap3A_138] : memref<32x100000xf32, #tpu.memory_space<vmem>>, vector<32x24576xf32>
    tpu.vector_store %arg4[%swap3A_137, %swap3A_138], %sub3A_136 {strides = array<i32>} : memref<32x100000xf32, #tpu.memory_space<vmem>>, vector<32x24576xf32>,
    %get3A_140 = arith.constant 0 : index
    %get3A_141 = arith.constant 24576 : index
    %get3A_142 = vector.load %arg4[%get3A_140, %get3A_141] : memref<32x100000xf32, #tpu.memory_space<vmem>>, vector<32x24576xf32>
    %sub3A_143 = vector.broadcast %add3A_131 : vector<32x1xf32> to vector<32x24576xf32>
    %sub3A_144 = arith.subf %get3A_142, %sub3A_143 : vector<32x24576xf32>
    %swap3A_145 = arith.constant 0 : index
    %swap3A_146 = arith.constant 24576 : index
    %swap3A_147 = vector.load %arg4[%swap3A_145, %swap3A_146] : memref<32x100000xf32, #tpu.memory_space<vmem>>, vector<32x24576xf32>
    tpu.vector_store %arg4[%swap3A_145, %swap3A_146], %sub3A_144 {strides = array<i32>} : memref<32x100000xf32, #tpu.memory_space<vmem>>, vector<32x24576xf32>,
    %get3A_148 = arith.constant 0 : index
    %get3A_149 = arith.constant 49152 : index
    %get3A_150 = vector.load %arg4[%get3A_148, %get3A_149] : memref<32x100000xf32, #tpu.memory_space<vmem>>, vector<32x24576xf32>
    %sub3A_151 = vector.broadcast %add3A_131 : vector<32x1xf32> to vector<32x24576xf32>
    %sub3A_152 = arith.subf %get3A_150, %sub3A_151 : vector<32x24576xf32>
    %swap3A_153 = arith.constant 0 : index
    %swap3A_154 = arith.constant 49152 : index
    %swap3A_155 = vector.load %arg4[%swap3A_153, %swap3A_154] : memref<32x100000xf32, #tpu.memory_space<vmem>>, vector<32x24576xf32>
    tpu.vector_store %arg4[%swap3A_153, %swap3A_154], %sub3A_152 {strides = array<i32>} : memref<32x100000xf32, #tpu.memory_space<vmem>>, vector<32x24576xf32>,
    %get3A_156 = arith.constant 0 : index
    %get3A_157 = arith.constant 73728 : index
    %get3A_158 = vector.load %arg4[%get3A_156, %get3A_157] : memref<32x100000xf32, #tpu.memory_space<vmem>>, vector<32x24576xf32>
    %sub3A_159 = vector.broadcast %add3A_131 : vector<32x1xf32> to vector<32x24576xf32>
    %sub3A_160 = arith.subf %get3A_158, %sub3A_159 : vector<32x24576xf32>
    %swap3A_161 = arith.constant 0 : index
    %swap3A_162 = arith.constant 73728 : index
    %swap3A_163 = vector.load %arg4[%swap3A_161, %swap3A_162] : memref<32x100000xf32, #tpu.memory_space<vmem>>, vector<32x24576xf32>
    tpu.vector_store %arg4[%swap3A_161, %swap3A_162], %sub3A_160 {strides = array<i32>} : memref<32x100000xf32, #tpu.memory_space<vmem>>, vector<32x24576xf32>,
    %get3A_164 = arith.constant 0 : index
    %get3A_165 = arith.constant 98304 : index
    %get3A_166 = vector.load %arg4[%get3A_164, %get3A_165] : memref<32x100000xf32, #tpu.memory_space<vmem>>, vector<32x1696xf32>
    %sub3A_167 = vector.broadcast %add3A_131 : vector<32x1xf32> to vector<32x1696xf32>
    %sub3A_168 = arith.subf %get3A_166, %sub3A_167 : vector<32x1696xf32>
    %swap3A_169 = arith.constant 0 : index
    %swap3A_170 = arith.constant 98304 : index
    %swap3A_171 = vector.load %arg4[%swap3A_169, %swap3A_170] : memref<32x100000xf32, #tpu.memory_space<vmem>>, vector<32x1696xf32>
    tpu.vector_store %arg4[%swap3A_169, %swap3A_170], %sub3A_168 {strides = array<i32>} : memref<32x100000xf32, #tpu.memory_space<vmem>>, vector<32x1696xf32>,
    return
  }
  func.func @transform_0(%arg0: i32) -> (i32, i32) {
    %c0_i32 = arith.constant 0 : i32
    %c0_i32_0 = arith.constant 0 : i32
    return %arg0, %c0_i32 : i32, i32
  }
  func.func @transform_1(%arg0: i32) -> (i32, i32) {
    %c0_i32 = arith.constant 0 : i32
    %c0_i32_0 = arith.constant 0 : i32
    %c0_i32_1 = arith.constant 0 : i32
    return %c0_i32, %c0_i32_0 : i32, i32
  }
  func.func @transform_2(%arg0: i32) -> (i32, i32) {
    %c0_i32 = arith.constant 0 : i32
    %c0_i32_0 = arith.constant 0 : i32
    %c0_i32_1 = arith.constant 0 : i32
    return %c0_i32, %c0_i32_0 : i32, i32
  }
  func.func @transform_3(%arg0: i32) -> (i32, i32) {
    %c0_i32 = arith.constant 0 : i32
    %c0_i32_0 = arith.constant 0 : i32
    return %arg0, %c0_i32 : i32, i32
  }
}

</mosaic_0001>

<sc_bundles>
// kernel: kernel.4.cloned.1.call-start
scs
__scs_entry_jumppad:
0x0: {  	(pc) =	sbr.rel $0x88, $3  }
0x1: {  	(tag) =	ssettag $0x0;
	lr =	simm.s32 $0x1  }
0x2: {  	[smem:$0x3F9D] =	sst lr;
	_ =	strace $0xD0000000  }
0x3: {  	_ = 	snop  }
0x4: {  	_ = 	snop  }
0x5: {  	_ = 	snop  }
0x6: {  	_ = 	snop  }
0x7: {  	_ = 	snop  }
__scs_overlays_trampoline_lowered:
0x8: {  	[smem:$0x3FAC] =	sst s0  }
0x9: {  	[smem:$0x3FAD] =	sst s1  }
0xa: {  	[smem:$0x3FAE] =	sst s2  }
0xb: {  	[smem:$0x3FAF] =	sst s3  }
0xc: {  	[smem:$0x3FB0] =	sst s4  }
0xd: {  	[smem:$0x3FB1] =	sst s5  }
0xe: {  	[smem:$0x3FB2] =	sst s6  }
0xf: {  	[smem:$0x3FB3] =	sst s7  }
0x10: {  	[smem:$0x3FB4] =	sst s8  }
0x11: {  	[smem:$0x3FB5] =	sst s9;
	s0 =	simm.s32 @!p0 $0x0  }
0x12: {  	s1 =	sld [smem:$0x3F9B];
	s0 =	simm.s32 @p0 $0x1  }
0x13: {  	[smem:$0x3FB6] =	sst s0;
	s0 =	simm.s32 @!p1 $0x0  }
0x14: {  	s2 =	sld [smem:$0x3F9A];
	s0 =	simm.s32 @p1 $0x1  }
0x15: {  	[smem:$0x3FB7] =	sst s0;
	s0 =	simm.s32 @!p2 $0x0  }
0x16: {  	s3 =	sld [smem:$0x3FDB];
	s0 =	simm.s32 @p2 $0x1  }
0x17: {  	s4 =	simm.s32 $0x1BF5;
	[smem:$0x3FB9] =	sst s0  }
0x18: {  	s0 =	sld [smem:$0x3F9C];
	_ =	swait.ge [sflag:s4], $0x0  }
0x19: {  	s7 =	sld [smem:$0x3F9D]  }
0x1a: {  	s8 =	sadd.s32 $0xFFFFE003, lr  }
0x1b: {  	s9 =	sadd.s32 $0xFFFFFEF7, lr;
	s5 =	simm.s32 $0xFFFFFFFF;
	p2 =	slt.u32 s8, $0xFFFFF086  }
0x1c: {  	p1 =	slt.u32 s9, $0xF7A;
	s5 =	simm.s32 @!p2 $0x0  }
0x1d: {  	s5 =	simm.s32 @p1 $0x1;
	p0 =	seq.s32 s7, s2  }
0x1e: {  	s7 =	smul.u32 @!p0 $0xF7A, s2;
	p2 =	seq.s32 @!p0 s5, $0x0  }
0x1f: {  	s9 =	smul.u32 $0xF7A, s1;
	s8 =	simm.s32 @!p0 $0x1BF5;
	p2 =	por !p2, p0  }
0x20: {  	[sflag:s8] =	ssyncset.s32 @!p0 $0xFFFFF086;
	s6 =	sadd.s32 @!p0 s3, s7;
	s7 =	simm.s32 @!p0 $0x108  }
0x21: {  	s3 =	sadd.s32 s3, s9;
	s6 =	sadd.s32 @!p0 $0x88, s6;
	s7 =	simm.s32 @p2 $0x1082  }
0x22: {  	[simem:s7], [sflag:s8] =	dma.local @!p0 [hbm:s6], $0xF7A  }
0x23: {  	s9 =	sor.u32 $0xD0000000, s2;
	s6 =	simm.s32 $0x108;
	_ =	swait.ge @!p0 [sflag:s8], $0x0  }
0x24: {  	s3 =	sadd.s32 $0x88, s3;
	s6 =	simm.s32 @!p1 $0x1082;
	[sflag:s4] =	ssyncset.s32 $0xFFFFF086  }
0x25: {  	[simem:s6], [sflag:s4] =	dma.local [hbm:s3], $0xF7A  }
0x26: {  	[smem:$0x3F9D] =	sst s1;
	(tag) =	ssettag s2;
	_ =	strace s9  }
0x27: {  	s1 =	sld [smem:$0x3FAD]  }
0x28: {  	s2 =	sld [smem:$0x3FAE]  }
0x29: {  	s4 =	sld [smem:$0x3FB0]  }
0x2a: {  	p0 =	seq.s32 s5, $0x0;
	s5 =	sld [smem:$0x3FB1]  }
0x2b: {  	s6 =	sld [smem:$0x3FB2]  }
0x2c: {  	s7 =	sld [smem:$0x3FB3]  }
0x2d: {  	s3 =	simm.s32 $0x108;
	s8 =	sld [smem:$0x3FB4]  }
0x2e: {  	s3 =	simm.s32 @!p0 $0x1082;
	s9 =	sld [smem:$0x3FB5]  }
0x2f: {  	lr =	sadd.s32 s0, s3;
	s0 =	sld [smem:$0x3FAC]  }
0x30: {  	s3 =	sld [smem:$0x3FAF]  }
0x31: {  	[smem:$0x3FB8] =	sst s10  }
0x32: {  	s10 =	sld [smem:$0x3FB6];
	_ =	sdelay $0x3  }
0x33: {  	p0 =	seq.s32 s10, $0x1;
	s10 =	sld [smem:$0x3FB8];
	_ =	sdelay $0x3  }
0x34: {  	[smem:$0x3FB8] =	sst s10  }
0x35: {  	s10 =	sld [smem:$0x3FB7];
	_ =	sdelay $0x3  }
0x36: {  	p1 =	seq.s32 s10, $0x1;
	s10 =	sld [smem:$0x3FB8];
	_ =	sdelay $0x3  }
0x37: {  	[smem:$0x3FB8] =	sst s10  }
0x38: {  	s10 =	sld [smem:$0x3FB9]  }
0x39: {  	_ = 	snop;
	(pc) =	sbr.ind lr, $3  }
0x3a: {  	_ = 	snop  }
0x3b: {  	_ = 	snop  }
0x3c: {  	p2 =	seq.s32 s10, $0x1;
	s10 =	sld [smem:$0x3FB8]  }
0x3d: {  	_ =	shalt  }
0x3e: {  	_ =	shalt  }
0x3f: {  	_ =	shalt  }
0x40: {  	_ =	shalt  }
0x41: {  	_ =	shalt  }
0x42: {  	_ =	shalt  }
0x43: {  	_ =	shalt  }
0x44: {  	_ =	shalt  }
0x45: {  	_ =	shalt  }
0x46: {  	_ =	shalt  }
0x47: {  	_ =	shalt  }
0x48: {  	_ =	shalt  }
0x49: {  	_ =	shalt  }
0x4a: {  	_ =	shalt  }
0x4b: {  	_ =	shalt  }
0x4c: {  	_ =	shalt  }
0x4d: {  	_ =	shalt  }
0x4e: {  	_ =	shalt  }
0x4f: {  	_ =	shalt  }
0x50: {  	_ =	shalt  }
0x51: {  	_ =	shalt  }
0x52: {  	_ =	shalt  }
0x53: {  	_ =	shalt  }
0x54: {  	_ =	shalt  }
0x55: {  	_ =	shalt  }
0x56: {  	_ =	shalt  }
0x57: {  	_ =	shalt  }
0x58: {  	_ =	shalt  }
0x59: {  	_ =	shalt  }
0x5a: {  	_ =	shalt  }
0x5b: {  	_ =	shalt  }
0x5c: {  	_ =	shalt  }
0x5d: {  	_ =	shalt  }
0x5e: {  	_ =	shalt  }
0x5f: {  	_ =	shalt  }
0x60: {  	_ =	shalt  }
0x61: {  	_ =	shalt  }
0x62: {  	_ =	shalt  }
0x63: {  	_ =	shalt  }
0x64: {  	_ =	shalt  }
0x65: {  	_ =	shalt  }
0x66: {  	_ =	shalt  }
0x67: {  	_ =	shalt  }
0x68: {  	_ =	shalt  }
0x69: {  	_ =	shalt  }
0x6a: {  	_ =	shalt  }
0x6b: {  	_ =	shalt  }
0x6c: {  	_ =	shalt  }
0x6d: {  	_ =	shalt  }
0x6e: {  	_ =	shalt  }
0x6f: {  	_ =	shalt  }
0x70: {  	_ =	shalt  }
0x71: {  	_ =	shalt  }
0x72: {  	_ =	shalt  }
0x73: {  	_ =	shalt  }
0x74: {  	_ =	shalt  }
0x75: {  	_ =	shalt  }
0x76: {  	_ =	shalt  }
0x77: {  	_ =	shalt  }
0x78: {  	_ =	shalt  }
0x79: {  	_ =	shalt  }
0x7a: {  	_ =	shalt  }
0x7b: {  	_ =	shalt  }
0x7c: {  	_ =	shalt  }
0x7d: {  	_ =	shalt  }
0x7e: {  	_ =	shalt  }
0x7f: {  	_ =	shalt  }
0x80: {  	_ =	shalt  }
0x81: {  	_ =	shalt  }
0x82: {  	_ =	shalt  }
0x83: {  	_ =	shalt  }
0x84: {  	_ =	shalt  }
0x85: {  	_ =	shalt  }
0x86: {  	_ =	shalt  }
0x87: {  	_ =	shalt  }
.Lfunc_end0:
.L_simem_size_0:
called_computation_lowered:
.L_overlay_start_0:
0x88: {  	s2 =	sld [smem:$0x3FD9]  }
0x89: {  	s3 =	sld [smem:$0x3FFE];
	_ =	sdelay $0x1  }
0x8a: {  	s1 =	srdreg.scid  }
0x8b: {  	s0 =	sand.u32 $0x1, s1  }
0x8c: {  	s16 =	sshll.u32 s0, $0xA;
	s2 =	sadd.s32 s3, s2  }
0x8d: {  	s2 =	sadd.s32 s2, s16  }
0x8e: {  	[smem:$0x3FC4] =	sst s2  }
0x8f: {  	_ = 	snop  }
0x90: {  	(tm) =	ssettm $0x1  }
0x91: {  	s17 =	sld [smem:$0x3FFB];
	_ =	sdelay $0x3  }
0x92: {  	_ =	strace s17  }
0x93: {  	s2 =	sld [smem:$0x3FFC];
	_ =	sdelay $0x3  }
0x94: {  	_ =	strace s2  }
0x95: {  	s2 =	sld [smem:$0x3FFD];
	_ =	sdelay $0x3  }
0x96: {  	_ =	strace s2  }
0x97: {  	_ =	strace $0x8FFFFFFF  }
0x98: {  	s18 =	sld [smem:$0x3FDB];
	_ =	sdelay $0x1  }
0x99: {  	s19 =	simm.s32 $_scs_section_size  }
0x9a: {  	s4 =	simm.s32 $_size__tile_overlayer_lowered;
	s5 =	simm.s32 $_tile_overlayer_lowered  }
0x9b: {  	s22 =	simm.s32 $0x1BFF;
	s21 =	sshll.u32 s5, $0x1;
	s2 =	sadd.s32 s19, s18  }
0x9c: {  	s6 =	simm.s32 $0x0;
	s20 =	sshll.u32 s4, $0x1;
	s4 =	sadd.s32 s21, s2  }
0x9d: {  	[timem:s6], [sflag:s22] =	dma.local [hbm:s4], s20  }
0x9e: {  	_ =	swait.ge [sflag:s22], s20  }
0x9f: {  	s3 =	ssub.s32 $0x0, s20;
	[sflag:s22] =	ssyncset.done $0x0  }
0xa0: {  	[sflag:s22] =	ssyncadd.s32 s3;
	_ =	sdelay $0x1  }
0xa1: {  	s23 =	simm.s32 $0x1B8B  }
0xa2: {  	_ =	swait.ge [sflag:s23], $0x1  }
0xa3: {  	[sflag:s23] =	ssyncset.done $0x0  }
0xa4: {  	s25 =	simm.s32 $0x1B8E;
	s24 =	sld [smem:$0x3FFE];
	[sflag:s23] =	ssyncadd.s32 $0xFFFFFFFF  }
0xa5: {  	s26 =	simm.s32 $execute0_lowered;
	[smem:$0x3FD2] =	sst s25  }
0xa6: {  	s4 =	sshll.u32 s26, $0x1;
	_ =	strace $0x80000046;
	[dreg:$0x1] =	wrdreg $0xFFFFFFFF  }
0xa7: {  	s28 =	simm.s32 $_size_execute0_lowered;
	s2 =	sadd.s32 s2, s4;
	[dreg:$0x0] =	wrdreg $0x0  }
0xa8: {  	s4 =	sshll.u32 s28, $0x1;
	[dreg:$0x2] =	wrdreg s2  }
0xa9: {  	[dreg:$0x3] =	wrdreg s4  }
0xaa: {  	[dreg:$0x4] =	wrdreg $0xC0  }
0xab: {  	_ =	task [dreg:s6], $0x5FFFF  }
0xac: {  	[dreg:$0x1] =	wrdreg $0xFFFFFFFF  }
0xad: {  	[dreg:$0x0] =	wrdreg $0x60  }
0xae: {  	[dreg:$0x2] =	wrdreg s24  }
0xaf: {  	[dreg:$0x3] =	wrdreg $0x9  }
0xb0: {  	_ =	task.clear_ibuf [dreg:s6], $0x4FFFF;
	_ =	strace $0x90000046  }
0xb1: {  	s29 =	simm.s32 $0x9;
	_ =	strace $0x80000048  }
0xb2: {  	_ =	swait.ge [sflag:s29], $0x1  }
0xb3: {  	[sflag:s29] =	ssyncadd.s32 $0xFFFFFFFF  }
0xb4: {  	_ =	strace $0x90000048  }
0xb5: {  	_ =	sfence  }
0xb6: {  	s30 =	sld [smem:$0x0];
	_ =	sdelay $0x2  }
0xb7: {  	s31 =	sshll.u32 s1, $0xD;
	s1 =	sshrl.u32 s1, $0x2  }
0xb8: {  	s3 =	sand.u32 $0x4000, s31;
	s1 =	sadd.s32 s1, s30  }
0xb9: {  	s0 =	sor.u32 s3, s0;
	s1 =	sshll.u32 s1, $0x11  }
0xba: {  	s0 =	sor.u32 s1, s0  }
0xbb: {  	s0 =	sadd.s32 $0x8F2B, s0  }
0xbc: {  	[sflag:s0] =	ssyncadd.remote.s32 $0x1  }
0xbd: {  	_ =	sfence.sel $0xFFFF  }
0xbe: {  	[dreg:$0x0] =	wrdreg $0xFFFFFFFF;
	(pc) =	sbr.abs _section_cstart, $3  }
0xbf: {  	[dreg:$0x1] =	wrdreg $0xFFFFFFFF  }
0xc0: {  	_ =	task.clear_ibuf [dreg:s6], $0x2FFFF;
	_ =	strace $0x9FFFFFFF  }
0xc1: {  	(tm) =	ssettm $0x7FFFFFFF  }
tec
execute0_lowered:
.L_overlay_start_1:
0x0: {  	(tag) =	ssettag $0x1  }
0x1: {  	s5 =	rddreg [dreg:$0x0]  }
0x2: {  	s0 =	rddreg [dreg:$0x1]  }
0x3: {  	s1 =	simm.s32 $0x0;
	s2 =	srdreg.scid;
	s10 =	simm.s32 $0x1  }
0x4: {  	s11 =	simm.s32 $0xA280;
	s12 =	simm.s32 $0x0;
	[smem:$0x7FF] =	sst s1  }
0x5: {  	s3 =	sadd.s32 $0x2200, s5;
	s6 =	sand.u32 $0x1, s2;
	s4 =	sadd.s32 $0x4A00, s5  }
0x6: {  	s2 =	stileid.u32;
	s5 =	sadd.s32 $0xC8000, s5;
	s7 =	ssub.s32 $0x2, s6  }
0x7: {  	s9 =	sshll.u32 s2, $0x8;
	s6 =	sshll.u32 s6, $0x7;
	s8 =	sshrl.u32 s7, $0x1  }
0x8: {  	_ =	strace $0x80000047;
	s6 =	sor.u32 s6, s9;
	s7 =	ssub.s32 s7, s8  }
0x9: {  	s9 =	simm.s32 $0x280;
	s8 =	simm.s32 $0x2;
	s7 =	smax.u32 s7, $0x1  }
.LBB2_1:
0xa: {  	s13 =	simm.s32 $0x0  }
.LBB2_2:
0xb: {  	s14 =	sshll.u32 s13, $0x5  }
0xc: {  	s14 =	sadd.s32 s6, s14  }
0xd: {  	s15 =	smul.u32 $0x14, s14;
	_ =	sdelay $0x1  }
0xe: {  	s15 =	sshrl.u32 s15, $0x3  }
0xf: {  	s16 =	sadd.s32 s3, s15;
	s15 =	simm.s32 $0x0  }
0x10: {  	[tilespmem:s15], [sflag:$0x2] =	stream.linear.gather [hbm4b:s16+s15], $0x280, $0x38;
	[tilespmem:$0xAA80] =	vst v63  }
0x11: {  	_ =	swait.ge [sflag:s8], $0x280  }
0x12: {  	[sflag:s8] =	ssyncset.done $0x0  }
0x13: {  	[sflag:s8] =	ssyncadd.s32 $0xFFFFFD80  }
0x14: {  	[tilespmem:s9], [sflag:$0x1] =	stream.indirect.gather [hbm4b:s4+s9], $0x40, s15, s9, $0xb8;
	[tilespmem:$0xAA80] =	vst v63  }
0x15: {  	_ =	swait.ge [sflag:s10], $0xA000  }
0x16: {  	[sflag:s10] =	ssyncset.done $0x0  }
0x17: {  	s16 =	simm.s32 $0x2A0;
	[sflag:s10] =	ssyncadd.s32 $0xFFFF6000  }
.LBB2_3:
0x18: {  	v2 =	vmov s16;
	_ =	sdelay $0x3  }
0x19: {  	s18 =	simm.s32 $0x0  }
0x1a: {  	v0 =	vld.idx.msk [tilespmem:v2+s18+$0x10 ss:$0x1], $0xffff  }
0x1b: {  	v3 =	vld.idx.msk [tilespmem:v2+s18+$0xFFFFFFE0 ss:$0x1], $0xffff  }
0x1c: {  	v1 =	vimm.f32 $0.0e+00;
	v4 =	vld.idx.msk [tilespmem:v2+s18+$0xFFFFFFF0 ss:$0x1], $0xffff  }
0x1d: {  	s17 =	simm.s32 $0x100;
	v8 =	vimm.f32 $0.0e+00;
	v7 =	vimm.f32 $0.0e+00;
	v6 =	vimm.f32 $0.0e+00;
	v5 =	vld.idx.msk [tilespmem:v2+s18+$0x0 ss:$0x1], $0xffff  }
.LBB2_4:
0x1e: {  	p0 =	sne.s32 s17, $0x1300  }
.Ltmp0:
0x1f: {  	s18 =	sshra.s32 s17, $0x2;
	s17 =	sadd.s32 $0x100, s17;
	(pc) =	sbr.rel @p0 .LBB2_4-.Ltmp0, $4  }
0x20: {  	v1 =	vadd.f32 v0, v1;
	v0 =	vld.idx.msk [tilespmem:v2+s18+$0x10 ss:$0x1], $0xffff  }
0x21: {  	v8 =	vadd.f32 v3, v8;
	v3 =	vld.idx.msk [tilespmem:v2+s18+$0xFFFFFFE0 ss:$0x1], $0xffff  }
0x22: {  	v7 =	vadd.f32 v4, v7;
	v4 =	vld.idx.msk [tilespmem:v2+s18+$0xFFFFFFF0 ss:$0x1], $0xffff  }
0x23: {  	v6 =	vadd.f32 v5, v6;
	v5 =	vld.idx.msk [tilespmem:v2+s18+$0x0 ss:$0x1], $0xffff  }
0x24: {  	s17 =	sshll.u32 s15, $0x6;
	s15 =	sadd.s32 $0x1, s15  }
0x25: {  	v0 =	vadd.f32 v0, v1;
	p0 =	sne.s32 s15, $0x20  }
.Ltmp1:
0x26: {  	s17 =	sand.u32 $0x3FFFFFC0, s17;
	v2 =	vadd.f32 v3, v8;
	(pc) =	sbr.rel @p0 .LBB2_3-.Ltmp1, $4  }
0x27: {  	v62 =	vadd.f32 v4, v7;
	[tilespmem:s17+$0xA2B0] =	vst v0  }
0x28: {  	v63 =	vadd.f32 v5, v6;
	[tilespmem:s17+$0xA280] =	vst v2  }
0x29: {  	[tilespmem:s17+$0xA290] =	vst v62  }
0x2a: {  	s16 =	sadd.s32 $0x500, s16;
	[tilespmem:s17+$0xA2A0] =	vst v63  }
0x2b: {  	s13 =	sadd.s32 $0x1, s13  }
0x2c: {  	s14 =	sshll.u32 s14, $0x3;
	p0 =	sne.s32 s13, $0x4  }
.Ltmp2:
0x2d: {  	s14 =	sadd.s32 s5, s14;
	(pc) =	sbr.rel @p0 .LBB2_2-.Ltmp2, $4  }
0x2e: {  	[hbm4b:s14+s1] =	stream.linear.scatter [tilespmem:s11], [sflag:$0x2], $0x800, $0x38;
	[tilespmem:$0xAA80] =	vst v63  }
0x2f: {  	_ =	swait.ge [sflag:s8], $0x800  }
0x30: {  	[sflag:s8] =	ssyncset.done $0x0  }
0x31: {  	[sflag:s8] =	ssyncadd.s32 $0xFFFFF800  }
0x32: {  	s12 =	sadd.s32 $0x1, s12  }
0x33: {  	p0 =	sne.s32 s12, s7  }
.Ltmp3:
0x34: {  	_ = 	snop;
	(pc) =	sbr.rel @p0 .LBB2_1-.Ltmp3, $1  }
0x35: {  	_ =	sdelay $0x3  }
0x36: {  	_ =	sfence.sel $0x180000  }
0x37: {  	[bflag:$0x0] =	sbarrier.arrive $0xFFFF  }
0x38: {  	p0 =	sne.s32 s2, $0x0;
	_ =	strace $0x90000047  }
0x39: {  	s0 =	sadd.s32 @!p0 $0x100000, s0;
	[bflag:$0x2] =	sbarrier.arrive $0xFFFF  }
0x3a: {  	[sflag:s0] =	ssyncadd.tile.s32 @!p0 $0x1;
	_ =	shalt  }
.Lfunc_end2:
_tile_overlayer_lowered:
.L_overlay_start_2:
0x3b: {  	(tag) =	ssettag $0x2  }
0x3c: {  	s0 =	rddreg [dreg:$0x0];
	s2 =	stileid.u32  }
0x3d: {  	s1 =	rddreg [dreg:$0x1];
	p0 =	sne.s32 s2, $0x0  }
0x3e: {  	s3 =	rddreg [dreg:$0x2];
	[bflag:$0x3] =	sbarrier.arrive $0xFFFF;
	s2 =	simm.s32 @!p0 $0x1C02  }
0x3f: {  	[timem:s3], [sflag:s2] =	dma.local @!p0 [hbm:s0], s1  }
0x40: {  	s0 =	simm.s32 @!p0 $0x2  }
0x41: {  	_ =	swait.ge @!p0 [sflag:s0], s1  }
0x42: {  	s1 =	ssub.s32 @!p0 $0x0, s1;
	[sflag:s0] =	ssyncset.done @!p0 $0x0  }
0x43: {  	[sflag:s0] =	ssyncadd.s32 @!p0 s1  }
0x44: {  	[bflag:$0x3] =	sbarrier.arrive $0xFFFF  }
0x45: {  	_ =	shalt  }

</sc_bundles>
